<compile_context>
chip_gen: v7x
topology: tpu7x:2x2x1
jax: 0.10.2.dev20260603
libtpu: 0.0.44.dev20260713+nightly
codegen_flags: <defaults>
</compile_context>

<pallas_src>
import dataclasses

import jax
import jax.numpy as jnp
from jax import lax
from jax.experimental import pallas as pl
from jax.experimental.pallas import tpu as pltpu
from jax.experimental.pallas import tpu_sc as plsc

N_NODES = 10000
N_EDGES = 320000
HID = 128
NW = 32
LANES = 16
NPAD = 10240
NPT = NPAD // 16
ZB = 8
EPW = N_EDGES // NW
CB = 80
NCHUNK = EPW // CB

BN = 1024
BE = 3200


def _zero_fill(buf, rows, width):
    @pl.loop(0, rows)
    def _r(r):
        for j in range(width // LANES):
            buf[r, pl.ds(j * LANES, LANES)] = jnp.zeros((LANES,), jnp.float32)


def _mesh():
    return plsc.VectorSubcoreMesh(core_axis_name="c", subcore_axis_name="s")


def _wid():
    return lax.axis_index("s") * 2 + lax.axis_index("c")



def _deg_body(dst_hbm, out_hbm, didx, cnt_v, sem):
    wid = _wid()

    @pl.loop(0, NPAD // LANES)
    def _z(r):
        cnt_v[pl.ds(r * LANES, LANES)] = jnp.zeros((LANES,), jnp.float32)

    base = wid * EPW
    ones = jnp.ones((LANES,), jnp.float32)

    @pl.loop(0, NCHUNK)
    def _chunk(i):
        pltpu.sync_copy(dst_hbm.at[pl.ds(base + i * CB, CB)], didx)

        @pl.loop(0, CB // LANES)
        def _g(g):
            idx = didx[pl.ds(g * LANES, LANES)]
            plsc.addupdate_scatter(cnt_v, [idx], ones)

    pltpu.sync_copy(cnt_v, out_hbm.at[wid])


@jax.jit
def _deg_kernel(dst):
    cp = pltpu.CompilerParams()
    if "needs_layout_passes" in pltpu.CompilerParams.__dataclass_fields__:
        cp = dataclasses.replace(cp, needs_layout_passes=False)
    k = pl.kernel(
        _deg_body,
        out_type=jax.ShapeDtypeStruct((NW, NPAD), jnp.float32),
        mesh=_mesh(),
        compiler_params=cp,
        scratch_types=[
            pltpu.VMEM((CB,), jnp.int32),
            pltpu.VMEM((NPAD,), jnp.float32),
            pltpu.SemaphoreType.DMA,
        ],
    )
    return k(dst)



def _agg_body(u_hbm, src_hbm, dst_hbm, out_hbm,
              sidx, didx, rows_v, zero_v, acc_sh, sem):
    cid = lax.axis_index("c")
    sid = lax.axis_index("s")
    wid = sid * 2 + cid

    _zero_fill(zero_v, ZB, HID)
    for t in range(NPT // ZB):
        pltpu.sync_copy(zero_v, acc_sh.at[pl.ds(sid * NPT + t * ZB, ZB)])
    plsc.subcore_barrier()

    base = wid * EPW

    @pl.loop(0, NCHUNK)
    def _chunk(i):
        off = base + i * CB
        pltpu.sync_copy(src_hbm.at[pl.ds(off, CB)], sidx)
        pltpu.sync_copy(dst_hbm.at[pl.ds(off, CB)], didx)
        pltpu.async_copy(u_hbm.at[sidx], rows_v, sem).wait()
        pltpu.sync_copy(rows_v, acc_sh.at[didx], add=True)

    plsc.subcore_barrier()
    row0 = cid * NPAD + sid * NPT
    pltpu.sync_copy(acc_sh.at[pl.ds(sid * NPT, NPT)],
                    out_hbm.at[pl.ds(row0, NPT)])


@jax.jit
def _agg_kernel(u, src, dst):
    k = pl.kernel(
        _agg_body,
        out_type=jax.ShapeDtypeStruct((2 * NPAD, HID), jnp.float32),
        mesh=_mesh(),
        scratch_types=[
            pltpu.VMEM((CB,), jnp.int32),
            pltpu.VMEM((CB,), jnp.int32),
            pltpu.VMEM((CB, HID), jnp.float32),
            pltpu.VMEM((ZB, HID), jnp.float32),
            pltpu.VMEM_SHARED((NPAD, HID), jnp.float32),
            pltpu.SemaphoreType.DMA,
        ],
    )
    return k(u, src, dst)



def _edge_stage_body(a_hbm, b_hbm, src_hbm, dst_hbm, c_hbm, w_hbm, out_hbm,
                     sidx, didx, rows_a, rows_b, c_v, w_v, o_v, sem):
    wid = _wid()
    base = wid * EPW
    pltpu.sync_copy(w_hbm, w_v)

    @pl.loop(0, NCHUNK)
    def _chunk(i):
        off = base + i * CB
        pltpu.sync_copy(src_hbm.at[pl.ds(off, CB)], sidx)
        pltpu.sync_copy(dst_hbm.at[pl.ds(off, CB)], didx)
        ca = pltpu.async_copy(a_hbm.at[sidx], rows_a, sem)
        cb = pltpu.async_copy(b_hbm.at[didx], rows_b, sem)
        cc = pltpu.async_copy(c_hbm.at[pl.ds(off, CB)], c_v, sem)
        ca.wait()
        cb.wait()
        cc.wait()

        @pl.loop(0, CB)
        def _edge(e):
            acc = jnp.zeros((LANES,), jnp.float32)
            for j in range(HID // LANES):
                sl = pl.ds(j * LANES, LANES)
                g = rows_a[e, sl] + rows_b[e, sl] + c_v[e, sl]
                g = jnp.maximum(g, 0.0)
                acc = acc + g * w_v[sl]
            o_v[e, :] = acc

        pltpu.sync_copy(o_v, out_hbm.at[pl.ds(off, CB)])


@jax.jit
def _edge_stage(A, B, src, dst, c, w):
    k = pl.kernel(
        _edge_stage_body,
        out_type=jax.ShapeDtypeStruct((N_EDGES, LANES), jnp.float32),
        mesh=_mesh(),
        scratch_types=[
            pltpu.VMEM((CB,), jnp.int32),
            pltpu.VMEM((CB,), jnp.int32),
            pltpu.VMEM((CB, HID), jnp.float32),
            pltpu.VMEM((CB, HID), jnp.float32),
            pltpu.VMEM((CB, HID), jnp.float32),
            pltpu.VMEM((HID,), jnp.float32),
            pltpu.VMEM((CB, LANES), jnp.float32),
            pltpu.SemaphoreType.DMA,
        ],
    )
    return k(A, B, src, dst, c, w)



def _dis_of(degT_blk):
    deg = jnp.sum(degT_blk, axis=1, keepdims=True) + 1.0
    return jax.lax.rsqrt(deg)


def _s1_body(degT, x, W, u):
    u[...] = jnp.dot(x[...], W[...],
                     preferred_element_type=jnp.float32) * _dis_of(degT[...])


def _s2_body(degT, a0, a1, up, b, W, u2):
    dis = _dis_of(degT[...])
    h = jnp.maximum((a0[...] + a1[...] + up[...]) * dis + b[...], 0.0)
    u2[...] = jnp.dot(h, W[...], preferred_element_type=jnp.float32) * dis


def _s3_body(degT, a0, a1, up, b, Wa, Wb, A, B):
    dis = _dis_of(degT[...])
    h = (a0[...] + a1[...] + up[...]) * dis + b[...]
    A[...] = jnp.dot(h, Wa[...], preferred_element_type=jnp.float32)
    B[...] = jnp.dot(h, Wb[...], preferred_element_type=jnp.float32)


def _s4_body(e, W, b, c):
    c[...] = jnp.dot(e[...], W[...],
                     preferred_element_type=jnp.float32) + b[...]


def _s5_body(p, b, o):
    o[...] = jnp.sum(p[...], axis=1, keepdims=True) + b[...]


def _node_spec(w=HID):
    return pl.BlockSpec((BN, w), lambda i: (i, 0))


def _full(shape):
    return pl.BlockSpec(shape, lambda i: tuple(0 for _ in shape))


_GRID_N = NPAD // BN


@jax.jit
def _s1(degT, x, W):
    return pl.pallas_call(
        _s1_body,
        grid=(_GRID_N,),
        in_specs=[_node_spec(NW), _node_spec(), _full((HID, HID))],
        out_specs=_node_spec(),
        out_shape=jax.ShapeDtypeStruct((NPAD, HID), jnp.float32),
    )(degT, x, W)


@jax.jit
def _s2(degT, aggp, up, b, W):
    return pl.pallas_call(
        _s2_body,
        grid=(_GRID_N,),
        in_specs=[_node_spec(NW),
                  _node_spec(),
                  pl.BlockSpec((BN, HID), lambda i: (i + _GRID_N, 0)),
                  _node_spec(), _full((1, HID)), _full((HID, HID))],
        out_specs=_node_spec(),
        out_shape=jax.ShapeDtypeStruct((NPAD, HID), jnp.float32),
    )(degT, aggp, aggp, up, b, W)


@jax.jit
def _s3(degT, aggp, up, b, Wa, Wb):
    return pl.pallas_call(
        _s3_body,
        grid=(_GRID_N,),
        in_specs=[_node_spec(NW),
                  _node_spec(),
                  pl.BlockSpec((BN, HID), lambda i: (i + _GRID_N, 0)),
                  _node_spec(), _full((1, HID)),
                  _full((HID, HID)), _full((HID, HID))],
        out_specs=[_node_spec(), _node_spec()],
        out_shape=[jax.ShapeDtypeStruct((NPAD, HID), jnp.float32),
                   jax.ShapeDtypeStruct((NPAD, HID), jnp.float32)],
    )(degT, aggp, aggp, up, b, Wa, Wb)


@jax.jit
def _s4(e, W, b):
    ef = e.shape[1]
    return pl.pallas_call(
        _s4_body,
        grid=(N_EDGES // BE,),
        in_specs=[pl.BlockSpec((BE, ef), lambda i: (i, 0)),
                  _full((ef, HID)), _full((1, HID))],
        out_specs=pl.BlockSpec((BE, HID), lambda i: (i, 0)),
        out_shape=jax.ShapeDtypeStruct((N_EDGES, HID), jnp.float32),
    )(e, W, b)


@jax.jit
def _s5(part, b):
    return pl.pallas_call(
        _s5_body,
        grid=(N_EDGES // BE,),
        in_specs=[pl.BlockSpec((BE, LANES), lambda i: (i, 0)),
                  _full((1, 1))],
        out_specs=pl.BlockSpec((BE, 1), lambda i: (i, 0)),
        out_shape=jax.ShapeDtypeStruct((N_EDGES, 1), jnp.float32),
    )(part, b)



def kernel(x, eIndex, eAttributes, W1, b1, W2, b2, Wm1, bm1, Wm2, bm2):
    src = eIndex[0].astype(jnp.int32)
    dst = eIndex[1].astype(jnp.int32)
    H = W1.shape[1]

    def pad_nodes(m):
        return jnp.concatenate(
            [m, jnp.zeros((NPAD - m.shape[0], m.shape[1]), m.dtype)])

    xp = pad_nodes(x)
    degp = _deg_kernel(dst)
    degT = degp.T

    u = _s1(degT, xp, W1)
    aggp = _agg_kernel(u, src, dst)
    u2 = _s2(degT, aggp, u, b1.reshape(1, H), W2)
    aggp2 = _agg_kernel(u2, src, dst)
    A, B = _s3(degT, aggp2, u2, b2.reshape(1, H), Wm1[:H], Wm1[H:2 * H])

    c = _s4(eAttributes, Wm1[2 * H:], bm1.reshape(1, H))

    part = _edge_stage(A, B, src, dst, c, Wm2[:, 0])
    return _s5(part, bm2.reshape(1, 1))

# --- scband reference (transcript-rebuilt; emitter-appended) ---
"""Pipeline reference for scband-edge-classifier-62423054680546 (READ-ONLY COPY).

The authoritative reference and input builder live on the scoring server;
editing this copy changes nothing except your own understanding.
"""

import jax, jax.numpy as jnp
import numpy as np

N_NODES = 10000
N_EDGES = 320000
IN_CH = 128
HID = 128
E_FEAT = 16


def gcn_conv(x, src, dst, W, b, num_nodes):
    # PyG GCNConv: linear transform, add self-loops, symmetric normalization, scatter-add aggregate
    loop = jnp.arange(num_nodes, dtype=src.dtype)
    s = jnp.concatenate([src, loop])
    d = jnp.concatenate([dst, loop])
    h = x @ W
    deg = jnp.zeros((num_nodes,), dtype=h.dtype).at[d].add(1.0)
    dis = jax.lax.rsqrt(deg)
    dis = jnp.where(jnp.isinf(dis), 0.0, dis)
    norm = dis[s] * dis[d]
    msgs = h[s] * norm[:, None]
    out = jnp.zeros((num_nodes, h.shape[1]), dtype=h.dtype).at[d].add(msgs)
    return out + b


def setup_inputs(seed: int = 0) -> dict:
    key = jax.random.key(seed)
    ks = jax.random.split(key, 12)
    x = jax.random.normal(ks[0], (N_NODES, IN_CH), dtype=jnp.float32)
    eIndex = jax.random.randint(ks[1], (2, N_EDGES), 0, N_NODES, dtype=jnp.int64)
    eAttributes = jax.random.normal(ks[2], (N_EDGES, E_FEAT), dtype=jnp.float32)
    # parameters (Glorot-ish scaling)
    W1 = jax.random.normal(ks[3], (IN_CH, HID), dtype=jnp.float32) * (1.0 / np.sqrt(IN_CH))
    b1 = jnp.zeros((HID,), dtype=jnp.float32)
    W2 = jax.random.normal(ks[4], (HID, HID), dtype=jnp.float32) * (1.0 / np.sqrt(HID))
    b2 = jnp.zeros((HID,), dtype=jnp.float32)
    Wm1 = jax.random.normal(ks[5], (2 * HID + E_FEAT, HID), dtype=jnp.float32) * (1.0 / np.sqrt(2 * HID + E_FEAT))
    bm1 = jnp.zeros((HID,), dtype=jnp.float32)
    Wm2 = jax.random.normal(ks[6], (HID, 1), dtype=jnp.float32) * (1.0 / np.sqrt(HID))
    bm2 = jnp.zeros((1,), dtype=jnp.float32)
    return {"x": x, "eIndex": eIndex, "eAttributes": eAttributes,
            "W1": W1, "b1": b1, "W2": W2, "b2": b2,
            "Wm1": Wm1, "bm1": bm1, "Wm2": Wm2, "bm2": bm2}


def reference(x, eIndex, eAttributes, W1, b1, W2, b2, Wm1, bm1, Wm2, bm2):
    src = eIndex[0]
    dst = eIndex[1]
    h = gcn_conv(x, src, dst, W1, b1, N_NODES)
    h = jax.nn.relu(h)
    h = gcn_conv(h, src, dst, W2, b2, N_NODES)
    row, col = eIndex[0], eIndex[1]
    eFeatures = jnp.concatenate([h[row], h[col], eAttributes], axis=1)
    z = jax.nn.relu(eFeatures @ Wm1 + bm1)
    return z @ Wm2 + bm2

if __name__ == "__main__":
    import jax
    _d = setup_inputs()
    print(jax.jit(kernel)(*tuple(_d.values())))

</pallas_src>

<mosaic_0001>
#map = affine_map<(d0, d1) -> (0)>
#map1 = affine_map<(d0, d1) -> (0, 0)>
module attributes {stable_mosaic.version = 14 : i64} {
  func.func @_deg_body(%arg0: i32, %arg1: i32, %arg2: memref<320000xi32, #tpu.memory_space<hbm>>, %arg3: memref<32x10240xf32, #tpu.memory_space<hbm>>, %arg4: memref<80xi32, #tpu.memory_space<vmem>>, %arg5: memref<10240xf32, #tpu.memory_space<vmem>>, %arg6: memref<!tpu.dma_semaphore, #tpu.memory_space<semaphore_mem>>) attributes {dimension_semantics = [#tpu.dimension_semantics<core_parallel>, #tpu.dimension_semantics<subcore_parallel>], iteration_bounds = array<i64: 2, 16>, scalar_prefetch = 0 : i64, scratch_operands = 3 : i64, tpu.core_type = #tpu.core_type<sc_vector_subcore>, window_params = [{transform_indices = #map}, {transform_indices = #map1}]} {
    %mul3A = arith.constant 2 : i32
    %mul3A_0 = arith.muli %arg1, %mul3A : i32
    %add3A = arith.addi %mul3A_0, %arg0 : i32
    %scan3A = arith.constant 0 : i32
    %scan3A_1 = arith.constant 640 : i32
    %scan3A_2 = arith.addi %scan3A, %scan3A_1 : i32
    %scan3A_3 = arith.constant 1 : i32
    scf.for %scan3A_13 = %scan3A to %scan3A_2 step %scan3A_3  : i32 {
      %mul3A_14 = arith.constant 1 : i32
      %mul3A_15 = arith.muli %scan3A_13, %mul3A_14 : i32
      %add3A_16 = arith.constant 0 : i32
      %add3A_17 = arith.addi %add3A_16, %mul3A_15 : i32
      %broadcast_in_dim3A_18 = arith.constant 0.000000e+00 : f32
      %broadcast_in_dim3A_19 = vector.broadcast %broadcast_in_dim3A_18 : f32 to vector<16xf32>
      %mul3A_20 = arith.constant 16 : i32
      %mul3A_21 = arith.muli %add3A_17, %mul3A_20 : i32
      %swap3A = arith.index_cast %mul3A_21 : i32 to index
      %swap3A_22 = tpu.vector_load %arg5[%swap3A] {strides = array<i32>} : memref<10240xf32, #tpu.memory_space<vmem>>, vector<16xf32>,
      tpu.vector_store %arg5[%swap3A], %broadcast_in_dim3A_19 {strides = array<i32>} : memref<10240xf32, #tpu.memory_space<vmem>>, vector<16xf32>,
    }
    %scan3A_4 = arith.constant 640 : i32
    %mul3A_5 = arith.constant 10000 : i32
    %mul3A_6 = arith.muli %add3A, %mul3A_5 : i32
    %broadcast_in_dim3A = arith.constant 1.000000e+00 : f32
    %broadcast_in_dim3A_7 = vector.broadcast %broadcast_in_dim3A : f32 to vector<16xf32>
    %scan3A_8 = arith.constant 0 : i32
    %scan3A_9 = arith.constant 125 : i32
    %scan3A_10 = arith.addi %scan3A_8, %scan3A_9 : i32
    %scan3A_11 = arith.constant 1 : i32
    scf.for %scan3A_13 = %scan3A_8 to %scan3A_10 step %scan3A_11  : i32 {
      %mul3A_14 = arith.constant 1 : i32
      %mul3A_15 = arith.muli %scan3A_13, %mul3A_14 : i32
      %add3A_16 = arith.constant 0 : i32
      %add3A_17 = arith.addi %add3A_16, %mul3A_15 : i32
      %mul3A_18 = arith.constant 80 : i32
      %mul3A_19 = arith.muli %add3A_17, %mul3A_18 : i32
      %add3A_20 = arith.addi %mul3A_6, %mul3A_19 : i32
      "tpu.region"() ({
        %run_scoped3A = tpu.sem_alloc : memref<!tpu.dma_semaphore, #tpu.memory_space<semaphore_mem>>
        %dma_start3A = tpu.memref_slice %arg2[%add3A_20] : memref<320000xi32, #tpu.memory_space<hbm>> -> memref<80xi32, #tpu.memory_space<hbm>>
        %dma_start3A_26 = tpu.memref_slice %arg2[%add3A_20] : memref<320000xi32, #tpu.memory_space<hbm>> -> memref<80xi32, #tpu.memory_space<hbm>>
        tpu.enqueue_dma source(%dma_start3A_26 : memref<80xi32, #tpu.memory_space<hbm>>) target(%arg4 : memref<80xi32, #tpu.memory_space<vmem>>) target_semaphore(%run_scoped3A : memref<!tpu.dma_semaphore, #tpu.memory_space<semaphore_mem>>)
        %dma_wait3A = tpu.memref_slice %arg2[%add3A_20] : memref<320000xi32, #tpu.memory_space<hbm>> -> memref<80xi32, #tpu.memory_space<hbm>>
        %dma_wait3A_27 = tpu.memref_slice %arg2[%add3A_20] : memref<320000xi32, #tpu.memory_space<hbm>> -> memref<80xi32, #tpu.memory_space<hbm>>
        tpu.wait_dma2 semaphore(%run_scoped3A : memref<!tpu.dma_semaphore, #tpu.memory_space<semaphore_mem>>) src(%dma_wait3A_27 : memref<80xi32, #tpu.memory_space<hbm>>) dst(%arg4 : memref<80xi32, #tpu.memory_space<vmem>>)
        tpu.yield
      }) : () -> ()
      %scan3A_21 = arith.constant 0 : i32
      %scan3A_22 = arith.constant 5 : i32
      %scan3A_23 = arith.addi %scan3A_21, %scan3A_22 : i32
      %scan3A_24 = arith.constant 1 : i32
      scf.for %scan3A_26 = %scan3A_21 to %scan3A_23 step %scan3A_24  : i32 {
        %mul3A_27 = arith.constant 1 : i32
        %mul3A_28 = arith.muli %scan3A_26, %mul3A_27 : i32
        %add3A_29 = arith.constant 0 : i32
        %add3A_30 = arith.addi %add3A_29, %mul3A_28 : i32
        %mul3A_31 = arith.constant 16 : i32
        %mul3A_32 = arith.muli %add3A_30, %mul3A_31 : i32
        %get3A = arith.index_cast %mul3A_32 : i32 to index
        %get3A_33 = tpu.vector_load %arg4[%get3A] {strides = array<i32>} : memref<80xi32, #tpu.memory_space<vmem>>, vector<16xi32>,
        tpu.vector_store_idx %arg5[%get3A_33], %broadcast_in_dim3A_7 {add = true} : memref<10240xf32, #tpu.memory_space<vmem>>[vector<16xi32>], vector<16xf32>,
      }
      %scan3A_25 = arith.constant 5 : i32
    }
    %scan3A_12 = arith.constant 125 : i32
    "tpu.region"() ({
      %run_scoped3A = tpu.sem_alloc : memref<!tpu.dma_semaphore, #tpu.memory_space<semaphore_mem>>
      %dma_start3A = arith.constant 0 : i32
      %dma_start3A_13 = tpu.memref_slice %arg3[%add3A, %dma_start3A] : memref<32x10240xf32, #tpu.memory_space<hbm>> -> memref<1x10240xf32, #tpu.memory_space<hbm>>
      %dma_start3A_14 = tpu.memref_squeeze %dma_start3A_13 : memref<1x10240xf32, #tpu.memory_space<hbm>> -> memref<10240xf32, #tpu.memory_space<hbm>>
      %dma_start3A_15 = arith.constant 0 : i32
      %dma_start3A_16 = tpu.memref_slice %arg3[%add3A, %dma_start3A_15] : memref<32x10240xf32, #tpu.memory_space<hbm>> -> memref<1x10240xf32, #tpu.memory_space<hbm>>
      %dma_start3A_17 = tpu.memref_squeeze %dma_start3A_16 : memref<1x10240xf32, #tpu.memory_space<hbm>> -> memref<10240xf32, #tpu.memory_space<hbm>>
      tpu.enqueue_dma source(%arg5 : memref<10240xf32, #tpu.memory_space<vmem>>) target(%dma_start3A_17 : memref<10240xf32, #tpu.memory_space<hbm>>) target_semaphore(%run_scoped3A : memref<!tpu.dma_semaphore, #tpu.memory_space<semaphore_mem>>)
      %dma_wait3A = arith.constant 0 : i32
      %dma_wait3A_18 = tpu.memref_slice %arg3[%add3A, %dma_wait3A] : memref<32x10240xf32, #tpu.memory_space<hbm>> -> memref<1x10240xf32, #tpu.memory_space<hbm>>
      %dma_wait3A_19 = tpu.memref_squeeze %dma_wait3A_18 : memref<1x10240xf32, #tpu.memory_space<hbm>> -> memref<10240xf32, #tpu.memory_space<hbm>>
      %dma_wait3A_20 = arith.constant 0 : i32
      %dma_wait3A_21 = tpu.memref_slice %arg3[%add3A, %dma_wait3A_20] : memref<32x10240xf32, #tpu.memory_space<hbm>> -> memref<1x10240xf32, #tpu.memory_space<hbm>>
      %dma_wait3A_22 = tpu.memref_squeeze %dma_wait3A_21 : memref<1x10240xf32, #tpu.memory_space<hbm>> -> memref<10240xf32, #tpu.memory_space<hbm>>
      tpu.wait_dma2 semaphore(%run_scoped3A : memref<!tpu.dma_semaphore, #tpu.memory_space<semaphore_mem>>) src(%arg5 : memref<10240xf32, #tpu.memory_space<vmem>>) dst(%dma_wait3A_22 : memref<10240xf32, #tpu.memory_space<hbm>>)
      tpu.yield
    }) : () -> ()
    return
  }
}

</mosaic_0001>

<sc_bundles>
// kernel: _deg_kernel.3.cloned.1.call-start
scs
__scs_entry_jumppad:
0x0: {  	(pc) =	sbr.rel $0x88, $3  }
0x1: {  	(tag) =	ssettag $0x0;
	lr =	simm.s32 $0x1  }
0x2: {  	[smem:$0x3FA0] =	sst lr;
	_ =	strace $0xD0000000  }
0x3: {  	_ = 	snop  }
0x4: {  	_ = 	snop  }
0x5: {  	_ = 	snop  }
0x6: {  	_ = 	snop  }
0x7: {  	_ = 	snop  }
__scs_overlays_trampoline_lowered:
0x8: {  	[smem:$0x3FAF] =	sst s0  }
0x9: {  	[smem:$0x3FB0] =	sst s1  }
0xa: {  	[smem:$0x3FB1] =	sst s2  }
0xb: {  	[smem:$0x3FB2] =	sst s3  }
0xc: {  	[smem:$0x3FB3] =	sst s4  }
0xd: {  	[smem:$0x3FB4] =	sst s5  }
0xe: {  	[smem:$0x3FB5] =	sst s6  }
0xf: {  	[smem:$0x3FB6] =	sst s7  }
0x10: {  	[smem:$0x3FB7] =	sst s8  }
0x11: {  	[smem:$0x3FB8] =	sst s9;
	s0 =	simm.s32 @!p0 $0x0  }
0x12: {  	s1 =	sld [smem:$0x3F9E];
	s0 =	simm.s32 @p0 $0x1  }
0x13: {  	[smem:$0x3FB9] =	sst s0;
	s0 =	simm.s32 @!p1 $0x0  }
0x14: {  	s2 =	sld [smem:$0x3F9D];
	s0 =	simm.s32 @p1 $0x1  }
0x15: {  	[smem:$0x3FBA] =	sst s0;
	s0 =	simm.s32 @!p2 $0x0  }
0x16: {  	s3 =	sld [smem:$0x3FDB];
	s0 =	simm.s32 @p2 $0x1  }
0x17: {  	s4 =	simm.s32 $0x1BF5;
	[smem:$0x3FBC] =	sst s0  }
0x18: {  	s0 =	sld [smem:$0x3F9F];
	_ =	swait.ge [sflag:s4], $0x0  }
0x19: {  	s7 =	sld [smem:$0x3FA0]  }
0x1a: {  	s8 =	sadd.s32 $0xFFFFE003, lr  }
0x1b: {  	s9 =	sadd.s32 $0xFFFFFEF7, lr;
	s5 =	simm.s32 $0xFFFFFFFF;
	p2 =	slt.u32 s8, $0xFFFFF086  }
0x1c: {  	p1 =	slt.u32 s9, $0xF7A;
	s5 =	simm.s32 @!p2 $0x0  }
0x1d: {  	s5 =	simm.s32 @p1 $0x1;
	p0 =	seq.s32 s7, s2  }
0x1e: {  	s7 =	smul.u32 @!p0 $0xF7A, s2;
	p2 =	seq.s32 @!p0 s5, $0x0  }
0x1f: {  	s9 =	smul.u32 $0xF7A, s1;
	s8 =	simm.s32 @!p0 $0x1BF5;
	p2 =	por !p2, p0  }
0x20: {  	[sflag:s8] =	ssyncset.s32 @!p0 $0xFFFFF086;
	s6 =	sadd.s32 @!p0 s3, s7;
	s7 =	simm.s32 @!p0 $0x108  }
0x21: {  	s3 =	sadd.s32 s3, s9;
	s6 =	sadd.s32 @!p0 $0x88, s6;
	s7 =	simm.s32 @p2 $0x1082  }
0x22: {  	[simem:s7], [sflag:s8] =	dma.local @!p0 [hbm:s6], $0xF7A  }
0x23: {  	s9 =	sor.u32 $0xD0000000, s2;
	s6 =	simm.s32 $0x108;
	_ =	swait.ge @!p0 [sflag:s8], $0x0  }
0x24: {  	s3 =	sadd.s32 $0x88, s3;
	s6 =	simm.s32 @!p1 $0x1082;
	[sflag:s4] =	ssyncset.s32 $0xFFFFF086  }
0x25: {  	[simem:s6], [sflag:s4] =	dma.local [hbm:s3], $0xF7A  }
0x26: {  	[smem:$0x3FA0] =	sst s1;
	(tag) =	ssettag s2;
	_ =	strace s9  }
0x27: {  	s1 =	sld [smem:$0x3FB0]  }
0x28: {  	s2 =	sld [smem:$0x3FB1]  }
0x29: {  	s4 =	sld [smem:$0x3FB3]  }
0x2a: {  	p0 =	seq.s32 s5, $0x0;
	s5 =	sld [smem:$0x3FB4]  }
0x2b: {  	s6 =	sld [smem:$0x3FB5]  }
0x2c: {  	s7 =	sld [smem:$0x3FB6]  }
0x2d: {  	s3 =	simm.s32 $0x108;
	s8 =	sld [smem:$0x3FB7]  }
0x2e: {  	s3 =	simm.s32 @!p0 $0x1082;
	s9 =	sld [smem:$0x3FB8]  }
0x2f: {  	lr =	sadd.s32 s0, s3;
	s0 =	sld [smem:$0x3FAF]  }
0x30: {  	s3 =	sld [smem:$0x3FB2]  }
0x31: {  	[smem:$0x3FBB] =	sst s10  }
0x32: {  	s10 =	sld [smem:$0x3FB9];
	_ =	sdelay $0x3  }
0x33: {  	p0 =	seq.s32 s10, $0x1;
	s10 =	sld [smem:$0x3FBB];
	_ =	sdelay $0x3  }
0x34: {  	[smem:$0x3FBB] =	sst s10  }
0x35: {  	s10 =	sld [smem:$0x3FBA];
	_ =	sdelay $0x3  }
0x36: {  	p1 =	seq.s32 s10, $0x1;
	s10 =	sld [smem:$0x3FBB];
	_ =	sdelay $0x3  }
0x37: {  	[smem:$0x3FBB] =	sst s10  }
0x38: {  	s10 =	sld [smem:$0x3FBC]  }
0x39: {  	_ = 	snop;
	(pc) =	sbr.ind lr, $3  }
0x3a: {  	_ = 	snop  }
0x3b: {  	_ = 	snop  }
0x3c: {  	p2 =	seq.s32 s10, $0x1;
	s10 =	sld [smem:$0x3FBB]  }
0x3d: {  	_ =	shalt  }
0x3e: {  	_ =	shalt  }
0x3f: {  	_ =	shalt  }
0x40: {  	_ =	shalt  }
0x41: {  	_ =	shalt  }
0x42: {  	_ =	shalt  }
0x43: {  	_ =	shalt  }
0x44: {  	_ =	shalt  }
0x45: {  	_ =	shalt  }
0x46: {  	_ =	shalt  }
0x47: {  	_ =	shalt  }
0x48: {  	_ =	shalt  }
0x49: {  	_ =	shalt  }
0x4a: {  	_ =	shalt  }
0x4b: {  	_ =	shalt  }
0x4c: {  	_ =	shalt  }
0x4d: {  	_ =	shalt  }
0x4e: {  	_ =	shalt  }
0x4f: {  	_ =	shalt  }
0x50: {  	_ =	shalt  }
0x51: {  	_ =	shalt  }
0x52: {  	_ =	shalt  }
0x53: {  	_ =	shalt  }
0x54: {  	_ =	shalt  }
0x55: {  	_ =	shalt  }
0x56: {  	_ =	shalt  }
0x57: {  	_ =	shalt  }
0x58: {  	_ =	shalt  }
0x59: {  	_ =	shalt  }
0x5a: {  	_ =	shalt  }
0x5b: {  	_ =	shalt  }
0x5c: {  	_ =	shalt  }
0x5d: {  	_ =	shalt  }
0x5e: {  	_ =	shalt  }
0x5f: {  	_ =	shalt  }
0x60: {  	_ =	shalt  }
0x61: {  	_ =	shalt  }
0x62: {  	_ =	shalt  }
0x63: {  	_ =	shalt  }
0x64: {  	_ =	shalt  }
0x65: {  	_ =	shalt  }
0x66: {  	_ =	shalt  }
0x67: {  	_ =	shalt  }
0x68: {  	_ =	shalt  }
0x69: {  	_ =	shalt  }
0x6a: {  	_ =	shalt  }
0x6b: {  	_ =	shalt  }
0x6c: {  	_ =	shalt  }
0x6d: {  	_ =	shalt  }
0x6e: {  	_ =	shalt  }
0x6f: {  	_ =	shalt  }
0x70: {  	_ =	shalt  }
0x71: {  	_ =	shalt  }
0x72: {  	_ =	shalt  }
0x73: {  	_ =	shalt  }
0x74: {  	_ =	shalt  }
0x75: {  	_ =	shalt  }
0x76: {  	_ =	shalt  }
0x77: {  	_ =	shalt  }
0x78: {  	_ =	shalt  }
0x79: {  	_ =	shalt  }
0x7a: {  	_ =	shalt  }
0x7b: {  	_ =	shalt  }
0x7c: {  	_ =	shalt  }
0x7d: {  	_ =	shalt  }
0x7e: {  	_ =	shalt  }
0x7f: {  	_ =	shalt  }
0x80: {  	_ =	shalt  }
0x81: {  	_ =	shalt  }
0x82: {  	_ =	shalt  }
0x83: {  	_ =	shalt  }
0x84: {  	_ =	shalt  }
0x85: {  	_ =	shalt  }
0x86: {  	_ =	shalt  }
0x87: {  	_ =	shalt  }
.Lfunc_end0:
.L_simem_size_0:
called_computation_lowered:
.L_overlay_start_0:
0x88: {  	s2 =	sld [smem:$0x3FD9]  }
0x89: {  	s3 =	sld [smem:$0x3FFE];
	_ =	sdelay $0x1  }
0x8a: {  	s1 =	srdreg.scid  }
0x8b: {  	s0 =	sand.u32 $0x1, s1  }
0x8c: {  	s18 =	sshll.u32 s0, $0xA;
	s2 =	sadd.s32 s3, s2  }
0x8d: {  	s2 =	sadd.s32 s2, s18  }
0x8e: {  	[smem:$0x3FC7] =	sst s2  }
0x8f: {  	_ = 	snop  }
0x90: {  	s2 =	sld [smem:$0x3FC9]  }
0x91: {  	s19 =	sld [smem:$0x3FD0];
	(tm) =	ssettm $0x1  }
0x92: {  	s4 =	sld [smem:$0x3FFB];
	_ =	sdelay $0x3  }
0x93: {  	_ =	strace s4  }
0x94: {  	s4 =	sld [smem:$0x3FFC];
	_ =	sdelay $0x3  }
0x95: {  	_ =	strace s4  }
0x96: {  	s4 =	sld [smem:$0x3FFD];
	_ =	sdelay $0x3  }
0x97: {  	_ =	strace s4  }
0x98: {  	_ =	strace $0x8FFFFFFF  }
0x99: {  	s20 =	sld [smem:$0x3FDB];
	_ =	sdelay $0x1  }
0x9a: {  	s5 =	simm.s32 $_scs_section_size  }
0x9b: {  	s6 =	simm.s32 $_size__tile_overlayer_lowered;
	s7 =	simm.s32 $_tile_overlayer_lowered  }
0x9c: {  	s23 =	simm.s32 $0x1BFF;
	s22 =	sshll.u32 s7, $0x1;
	s4 =	sadd.s32 s5, s20  }
0x9d: {  	s8 =	simm.s32 $0x0;
	s21 =	sshll.u32 s6, $0x1;
	s6 =	sadd.s32 s22, s4  }
0x9e: {  	[timem:s8], [sflag:s23] =	dma.local [hbm:s6], s21  }
0x9f: {  	_ =	swait.ge [sflag:s23], s21  }
0xa0: {  	s5 =	ssub.s32 $0x0, s21;
	[sflag:s23] =	ssyncset.done $0x0  }
0xa1: {  	[sflag:s23] =	ssyncadd.s32 s5;
	_ =	sdelay $0x1  }
0xa2: {  	s24 =	simm.s32 $0x1B8B  }
0xa3: {  	_ =	swait.ge [sflag:s24], $0x1  }
0xa4: {  	[sflag:s24] =	ssyncset.done $0x0  }
0xa5: {  	s25 =	simm.s32 $0x1B8E;
	[sflag:s24] =	ssyncadd.s32 $0xFFFFFFFF  }
0xa6: {  	s26 =	simm.s32 $execute0_lowered;
	[smem:$0x3FD2] =	sst s25  }
0xa7: {  	s5 =	sshll.u32 s26, $0x1;
	_ =	strace $0x80000046;
	[dreg:$0x1] =	wrdreg $0xFFFFFFFF  }
0xa8: {  	s28 =	simm.s32 $_size_execute0_lowered;
	s4 =	sadd.s32 s4, s5;
	[dreg:$0x0] =	wrdreg $0x0  }
0xa9: {  	s5 =	sshll.u32 s28, $0x1;
	[dreg:$0x2] =	wrdreg s4  }
0xaa: {  	[dreg:$0x3] =	wrdreg s5  }
0xab: {  	[dreg:$0x4] =	wrdreg $0xC0  }
0xac: {  	_ =	task [dreg:s8], $0x5FFFF  }
0xad: {  	[dreg:$0x1] =	wrdreg $0xFFFFFFFF  }
0xae: {  	[dreg:$0x0] =	wrdreg $0x60  }
0xaf: {  	[dreg:$0x2] =	wrdreg s2  }
0xb0: {  	[dreg:$0x3] =	wrdreg s19  }
0xb1: {  	[dreg:$0x4] =	wrdreg $0x9  }
0xb2: {  	_ =	task.clear_ibuf [dreg:s8], $0x5FFFF;
	_ =	strace $0x90000046  }
0xb3: {  	s29 =	simm.s32 $0x9;
	_ =	strace $0x80000048  }
0xb4: {  	_ =	swait.ge [sflag:s29], $0x1  }
0xb5: {  	[sflag:s29] =	ssyncadd.s32 $0xFFFFFFFF  }
0xb6: {  	_ =	strace $0x90000048  }
0xb7: {  	_ =	sfence  }
0xb8: {  	s30 =	sld [smem:$0x0];
	_ =	sdelay $0x2  }
0xb9: {  	s31 =	sshll.u32 s1, $0xD;
	s1 =	sshrl.u32 s1, $0x2  }
0xba: {  	s3 =	sand.u32 $0x4000, s31;
	s1 =	sadd.s32 s1, s30  }
0xbb: {  	s0 =	sor.u32 s3, s0;
	s1 =	sshll.u32 s1, $0x11  }
0xbc: {  	s0 =	sor.u32 s1, s0  }
0xbd: {  	s0 =	sadd.s32 $0x8F2B, s0  }
0xbe: {  	[sflag:s0] =	ssyncadd.remote.s32 $0x1  }
0xbf: {  	_ =	sfence.sel $0xFFFF  }
0xc0: {  	[dreg:$0x0] =	wrdreg $0xFFFFFFFF;
	(pc) =	sbr.abs _section_cstart, $3  }
0xc1: {  	[dreg:$0x1] =	wrdreg $0xFFFFFFFF  }
0xc2: {  	_ =	task.clear_ibuf [dreg:s8], $0x2FFFF;
	_ =	strace $0x9FFFFFFF  }
0xc3: {  	(tm) =	ssettm $0x7FFFFFFF  }
tec
execute0_lowered:
.L_overlay_start_1:
0x0: {  	(tag) =	ssettag $0x1  }
0x1: {  	s5 =	rddreg [dreg:$0x0]  }
0x2: {  	s3 =	rddreg [dreg:$0x1]  }
0x3: {  	s2 =	srdreg.scid;
	s1 =	stileid.u32  }
0x4: {  	s0 =	rddreg [dreg:$0x2];
	s4 =	sand.u32 $0x1, s2;
	s28 =	sshrl.u32 s1, $0x2  }
0x5: {  	s7 =	sshll.u32 s1, $0x8;
	s2 =	simm.s32 $0x0;
	s29 =	smul.u32 $0x4E20, s1  }
0x6: {  	s6 =	smul.u32 $0x14000, s28;
	s8 =	sshll.u32 s4, $0x7;
	[smem:$0x7FF] =	sst s2  }
0x7: {  	s9 =	smul.u32 $0x2710, s4;
	s4 =	ssub.s32 $0x2, s4;
	s7 =	sor.u32 s8, s7  }
0x8: {  	_ =	strace $0x80000047;
	s30 =	sshrl.u32 s4, $0x1;
	s7 =	sand.u32 $0x380, s7  }
0x9: {  	s8 =	sadd.s32 s9, s29;
	s4 =	ssub.s32 s4, s30;
	s9 =	simm.s32 $0x0  }
0xa: {  	s6 =	sor.u32 s6, s7;
	s31 =	sshrl.u32 s8, $0x3;
	s4 =	smax.u32 s4, $0x1  }
0xb: {  	s7 =	simm.s32 $0x80;
	s8 =	simm.s32 $0x400;
	s6 =	sshrl.u32 s6, $0x3  }
0xc: {  	v0 =	vimm.f32 $0.0e+00;
	v1 =	vimm.f32 $1.000000000e+00;
	s5 =	sadd.s32 s31, s5;
	s3 =	sadd.s32 s3, s6;
	s6 =	simm.s32 $0x1  }
.LBB2_1:
0xd: {  	s10 =	simm.s32 $0x0  }
.LBB2_2:
0xe: {  	p0 =	sne.s32 s10, $0x9FC0  }
.Ltmp0:
0xf: {  	_ = 	snop;
	(pc) =	sbr.rel @p0 .LBB2_2-.Ltmp0, $3  }
0x10: {  	_ =	sdelay $0x1  }
0x11: {  	s11 =	sshra.s32 s10, $0x2  }
0x12: {  	s10 =	sadd.s32 $0x40, s10;
	[tilespmem:s11+$0x80] =	vst v0  }
0x13: {  	s10 =	simm.s32 $0x0  }
.LBB2_4:
0x14: {  	s11 =	sadd.s32 s10, s5  }
0x15: {  	[tilespmem:s2], [sflag:$0x1] =	stream.linear.gather [hbm4b:s11+s2], $0x50, $0x38;
	[tilespmem:$0x2880] =	vst v63  }
0x16: {  	_ =	swait.ge [sflag:s6], $0x50  }
0x17: {  	[sflag:s6] =	ssyncset.done $0x0  }
0x18: {  	[sflag:s6] =	ssyncadd.s32 $0xFFFFFFB0  }
0x19: {  	v2 =	vld [tilespmem:$0x0];
	_ =	sdelay $0x7  }
0x1a: {  	[tilespmem:v2+s7+$0x0] =	vst.idx.add.f32.msk $0xffff, v1  }
0x1b: {  	v2 =	vld [tilespmem:$0x10];
	_ =	sdelay $0x7  }
0x1c: {  	[tilespmem:v2+s7+$0x0] =	vst.idx.add.f32.msk $0xffff, v1  }
0x1d: {  	v2 =	vld [tilespmem:$0x20];
	_ =	sdelay $0x7  }
0x1e: {  	[tilespmem:v2+s7+$0x0] =	vst.idx.add.f32.msk $0xffff, v1  }
0x1f: {  	v2 =	vld [tilespmem:$0x30];
	_ =	sdelay $0x7  }
0x20: {  	[tilespmem:v2+s7+$0x0] =	vst.idx.add.f32.msk $0xffff, v1  }
0x21: {  	v2 =	vld [tilespmem:$0x40];
	_ =	sdelay $0x2  }
0x22: {  	p0 =	sne.s32 s10, $0x4D8  }
.Ltmp1:
0x23: {  	_ = 	snop;
	(pc) =	sbr.rel @p0 .LBB2_4-.Ltmp1, $2  }
0x24: {  	_ =	sdelay $0x2  }
0x25: {  	s10 =	sadd.s32 $0xA, s10;
	[tilespmem:v2+s7+$0x0] =	vst.idx.add.f32.msk $0xffff, v1  }
0x26: {  	s9 =	sadd.s32 $0x1, s9  }
0x27: {  	p0 =	sne.s32 s9, s4  }
.Ltmp2:
0x28: {  	_ = 	snop;
	(pc) =	sbr.rel @p0 .LBB2_1-.Ltmp2, $4  }
0x29: {  	[hbm4b:s3+s7] =	stream.strided.scatter [tilespmem:s7], [sflag:$0x1], $0x2800, s8, s7, $0x38;
	[tilespmem:$0x2880] =	vst v63  }
0x2a: {  	_ =	swait.ge [sflag:s6], $0x2800  }
0x2b: {  	[sflag:s6] =	ssyncset.done $0x0  }
0x2c: {  	[sflag:s6] =	ssyncadd.s32 $0xFFFFD800  }
0x2d: {  	_ =	sfence.sel $0x180000  }
0x2e: {  	[bflag:$0x0] =	sbarrier.arrive $0xFFFF  }
0x2f: {  	p0 =	sne.s32 s1, $0x0;
	_ =	strace $0x90000047  }
0x30: {  	s0 =	sadd.s32 @!p0 $0x100000, s0;
	[bflag:$0x2] =	sbarrier.arrive $0xFFFF  }
0x31: {  	[sflag:s0] =	ssyncadd.tile.s32 @!p0 $0x1;
	_ =	shalt  }
.Lfunc_end2:
_tile_overlayer_lowered:
.L_overlay_start_2:
0x32: {  	(tag) =	ssettag $0x2  }
0x33: {  	s0 =	rddreg [dreg:$0x0];
	s2 =	stileid.u32  }
0x34: {  	s1 =	rddreg [dreg:$0x1];
	p0 =	sne.s32 s2, $0x0  }
0x35: {  	s3 =	rddreg [dreg:$0x2];
	[bflag:$0x3] =	sbarrier.arrive $0xFFFF;
	s2 =	simm.s32 @!p0 $0x1C01  }
0x36: {  	[timem:s3], [sflag:s2] =	dma.local @!p0 [hbm:s0], s1  }
0x37: {  	s0 =	simm.s32 @!p0 $0x1  }
0x38: {  	_ =	swait.ge @!p0 [sflag:s0], s1  }
0x39: {  	s1 =	ssub.s32 @!p0 $0x0, s1;
	[sflag:s0] =	ssyncset.done @!p0 $0x0  }
0x3a: {  	[sflag:s0] =	ssyncadd.s32 @!p0 s1  }
0x3b: {  	[bflag:$0x3] =	sbarrier.arrive $0xFFFF  }
0x3c: {  	_ =	shalt  }

</sc_bundles>
